<compile_context>
chip_gen: v7x
topology: tpu7x:2x2x1
jax: 0.10.2.dev20260603
libtpu: 0.0.44.dev20260713+nightly
codegen_flags: <defaults>
</compile_context>

<pallas_src>
import functools

import jax
import jax.numpy as jnp
from jax import lax
from jax.experimental import pallas as pl
from jax.experimental.pallas import tpu as pltpu
from jax.experimental.pallas import tpu_sc as plsc

NC = 2
NS = 16
CHUNK = 128


def _sc_partial_sums(src2d, dst2d, X, acc_rows, out_rows, chunks_per_tile):
  n_pad, D = X.shape
  mesh = plsc.VectorSubcoreMesh(
      core_axis_name="c", subcore_axis_name="s", num_cores=NC, num_subcores=NS
  )
  rows_init = out_rows // NS

  @functools.partial(
      pl.kernel,
      out_type=jax.ShapeDtypeStruct((NC * out_rows, D), jnp.float32),
      mesh=mesh,
      scratch_types=[
          pltpu.VMEM((chunks_per_tile, CHUNK), jnp.int32),
          pltpu.VMEM((chunks_per_tile, CHUNK), jnp.int32),
          pltpu.VMEM((CHUNK, D), jnp.float32),
          pltpu.VMEM_SHARED((acc_rows, D), jnp.float32),
          pltpu.SemaphoreType.DMA,
      ],
  )
  def k(src_hbm, dst_hbm, x_hbm, out_hbm, src_v, dst_v, rows_v, acc, sem):
    cid = lax.axis_index("c")
    sid = lax.axis_index("s")
    wid = sid * NC + cid

    def zbody(i, c):
      for j in range(D // 16):
        rows_v[i, pl.ds(j * 16, 16)] = jnp.zeros((16,), jnp.float32)
      return c

    lax.fori_loop(0, CHUNK, zbody, 0)
    zslices = acc_rows // (NS * CHUNK)
    for z in range(zslices):
      pltpu.sync_copy(rows_v, acc.at[pl.ds((sid * zslices + z) * CHUNK, CHUNK)])

    base = wid * chunks_per_tile
    pltpu.sync_copy(src_hbm.at[pl.ds(base, chunks_per_tile)], src_v)
    pltpu.sync_copy(dst_hbm.at[pl.ds(base, chunks_per_tile)], dst_v)
    plsc.subcore_barrier()

    def body(j, carry):
      pltpu.async_copy(x_hbm.at[src_v.at[j]], rows_v, sem).wait()
      pltpu.sync_copy(rows_v, acc.at[dst_v.at[j]], add=True)
      return carry

    lax.fori_loop(0, chunks_per_tile, body, 0)
    plsc.subcore_barrier()

    pltpu.sync_copy(
        acc.at[pl.ds(sid * rows_init, rows_init)],
        out_hbm.at[pl.ds(cid * out_rows + sid * rows_init, rows_init)],
    )

  return k(src2d, dst2d, X)


def _combine(X, p0, p1, eps):
  n, D = X.shape
  blk = 1000
  grid = (n + blk - 1) // blk

  def body(eps_ref, x_ref, p0_ref, p1_ref, o_ref):
    o_ref[...] = (1.0 + eps_ref[0]) * x_ref[...] + p0_ref[...] + p1_ref[...]

  return pl.pallas_call(
      body,
      grid=(grid,),
      in_specs=[
          pl.BlockSpec(memory_space=pltpu.SMEM),
          pl.BlockSpec((blk, D), lambda i: (i, 0)),
          pl.BlockSpec((blk, D), lambda i: (i, 0)),
          pl.BlockSpec((blk, D), lambda i: (i, 0)),
      ],
      out_specs=pl.BlockSpec((blk, D), lambda i: (i, 0)),
      out_shape=jax.ShapeDtypeStruct((n, D), jnp.float32),
  )(eps, X, p0, p1)


def kernel(edge_index, X, num_nodes, eps):
  n, D = X.shape
  E = edge_index.shape[1]
  dst = edge_index[0] % n
  src = edge_index[1]

  tile_quant = NC * NS * CHUNK * 8
  e_pad = ((E + tile_quant - 1) // tile_quant) * tile_quant
  chunks_per_tile = e_pad // (NC * NS * CHUNK)
  pad = e_pad - E
  if pad:
    src = jnp.concatenate([src, jnp.zeros((pad,), src.dtype)])
    dst = jnp.concatenate([dst, jnp.full((pad,), n, dst.dtype)])
  src2d = src.reshape(e_pad // CHUNK, CHUNK).astype(jnp.int32)
  dst2d = dst.reshape(e_pad // CHUNK, CHUNK).astype(jnp.int32)

  zquant = NS * CHUNK
  acc_rows = ((n + 1 + zquant - 1) // zquant) * zquant
  oquant = NS * 8
  out_rows = ((n + oquant - 1) // oquant) * oquant

  partial = _sc_partial_sums(src2d, dst2d, X, acc_rows, out_rows, chunks_per_tile)
  p0 = partial[:n]
  p1 = partial[out_rows:out_rows + n]
  return _combine(X, p0, p1, eps.astype(jnp.float32))

# --- scband reference (transcript-rebuilt; emitter-appended) ---
"""Pipeline reference for scband-ginconv-58377195487745 (READ-ONLY COPY).

The authoritative reference and input builder live on the scoring server;
editing this copy changes nothing except your own understanding.
"""

import jax, jax.numpy as jnp
import numpy as np

N_NODES = 10000
N_EDGES = 320000
D_FEAT = 128


def setup_inputs(seed: int = 0) -> dict:
    key = jax.random.key(seed)
    kx, ke = jax.random.split(key)
    X = jax.random.normal(kx, (N_NODES, D_FEAT), dtype=jnp.float32)
    edge_index = jax.random.randint(ke, (2, N_EDGES), 0, N_NODES)
    eps = jnp.zeros((1,), dtype=jnp.float32)  # buffer, init_eps=0, learn_eps=False
    return {"edge_index": edge_index, "X": X, "num_nodes": N_NODES, "eps": eps}


def reference(edge_index, X, num_nodes, eps):
    # GINConv forward, aggregator_type='sum', apply_func=None, activation=None.
    # Original builds SparseTensor(row=edge_index[0], col=edge_index[1]) with value 1.0
    # and computes spmm_sum(A, X): rst[i] = sum over edges (row=i, col=j) of X[j].
    dst = edge_index[0] % num_nodes
    src = edge_index[1]
    msgs = jnp.take(X, src, axis=0)                       # gather X[col]
    neigh = jax.ops.segment_sum(msgs, dst, num_segments=X.shape[0])  # scatter-add to row
    rst = (1.0 + eps) * X + neigh
    return rst

if __name__ == "__main__":
    import jax
    _d = setup_inputs()
    print(jax.jit(kernel)(*tuple(_d.values())))

</pallas_src>

<mosaic_0001>
#map = affine_map<(d0, d1) -> (0, 0)>
module attributes {stable_mosaic.version = 14 : i64} {
  func.func @k(%arg0: i32, %arg1: i32, %arg2: memref<2560x128xi32, #tpu.memory_space<hbm>>, %arg3: memref<2560x128xi32, #tpu.memory_space<hbm>>, %arg4: memref<10000x128xf32, #tpu.memory_space<hbm>>, %arg5: memref<20224x128xf32, #tpu.memory_space<hbm>>, %arg6: memref<80x128xi32, #tpu.memory_space<vmem>>, %arg7: memref<80x128xi32, #tpu.memory_space<vmem>>, %arg8: memref<128x128xf32, #tpu.memory_space<vmem>>, %arg9: memref<10240x128xf32, #tpu.memory_space<vmem_shared>>, %arg10: memref<!tpu.dma_semaphore, #tpu.memory_space<semaphore_mem>>) attributes {dimension_semantics = [#tpu.dimension_semantics<core_parallel>, #tpu.dimension_semantics<subcore_parallel>], iteration_bounds = array<i64: 2, 16>, scalar_prefetch = 0 : i64, scratch_operands = 5 : i64, tpu.core_type = #tpu.core_type<sc_vector_subcore>, window_params = [{transform_indices = #map}, {transform_indices = #map}, {transform_indices = #map}, {transform_indices = #map}]} {
    %mul3A = arith.constant 2 : i32
    %mul3A_0 = arith.muli %arg1, %mul3A : i32
    %add3A = arith.addi %mul3A_0, %arg0 : i32
    %scan3A = arith.constant 0 : i32
    %scan3A_1 = arith.constant 0 : i32
    %scan3A_2 = arith.constant 128 : i32
    %scan3A_3 = arith.addi %scan3A_1, %scan3A_2 : i32
    %scan3A_4 = arith.constant 1 : i32
    scf.for %scan3A_52 = %scan3A_1 to %scan3A_3 step %scan3A_4  : i32 {
      %broadcast_in_dim3A = arith.constant 0.000000e+00 : f32
      %broadcast_in_dim3A_53 = vector.broadcast %broadcast_in_dim3A : f32 to vector<16xf32>
      %swap3A = arith.index_cast %scan3A_52 : i32 to index
      %swap3A_54 = arith.constant 0 : index
      %swap3A_55 = tpu.vector_load %arg8[%swap3A, %swap3A_54] {strides = array<i32>} : memref<128x128xf32, #tpu.memory_space<vmem>>, vector<1x16xf32>,
      %swap3A_56 = vector.shape_cast %swap3A_55 : vector<1x16xf32> to vector<16xf32>
      %swap3A_57 = vector.shape_cast %broadcast_in_dim3A_53 : vector<16xf32> to vector<1x16xf32>
      tpu.vector_store %arg8[%swap3A, %swap3A_54], %swap3A_57 {strides = array<i32>} : memref<128x128xf32, #tpu.memory_space<vmem>>, vector<1x16xf32>,
      %broadcast_in_dim3A_58 = arith.constant 0.000000e+00 : f32
      %broadcast_in_dim3A_59 = vector.broadcast %broadcast_in_dim3A_58 : f32 to vector<16xf32>
      %swap3A_60 = arith.index_cast %scan3A_52 : i32 to index
      %swap3A_61 = arith.constant 16 : index
      %swap3A_62 = tpu.vector_load %arg8[%swap3A_60, %swap3A_61] {strides = array<i32>} : memref<128x128xf32, #tpu.memory_space<vmem>>, vector<1x16xf32>,
      %swap3A_63 = vector.shape_cast %swap3A_62 : vector<1x16xf32> to vector<16xf32>
      %swap3A_64 = vector.shape_cast %broadcast_in_dim3A_59 : vector<16xf32> to vector<1x16xf32>
      tpu.vector_store %arg8[%swap3A_60, %swap3A_61], %swap3A_64 {strides = array<i32>} : memref<128x128xf32, #tpu.memory_space<vmem>>, vector<1x16xf32>,
      %broadcast_in_dim3A_65 = arith.constant 0.000000e+00 : f32
      %broadcast_in_dim3A_66 = vector.broadcast %broadcast_in_dim3A_65 : f32 to vector<16xf32>
      %swap3A_67 = arith.index_cast %scan3A_52 : i32 to index
      %swap3A_68 = arith.constant 32 : index
      %swap3A_69 = tpu.vector_load %arg8[%swap3A_67, %swap3A_68] {strides = array<i32>} : memref<128x128xf32, #tpu.memory_space<vmem>>, vector<1x16xf32>,
      %swap3A_70 = vector.shape_cast %swap3A_69 : vector<1x16xf32> to vector<16xf32>
      %swap3A_71 = vector.shape_cast %broadcast_in_dim3A_66 : vector<16xf32> to vector<1x16xf32>
      tpu.vector_store %arg8[%swap3A_67, %swap3A_68], %swap3A_71 {strides = array<i32>} : memref<128x128xf32, #tpu.memory_space<vmem>>, vector<1x16xf32>,
      %broadcast_in_dim3A_72 = arith.constant 0.000000e+00 : f32
      %broadcast_in_dim3A_73 = vector.broadcast %broadcast_in_dim3A_72 : f32 to vector<16xf32>
      %swap3A_74 = arith.index_cast %scan3A_52 : i32 to index
      %swap3A_75 = arith.constant 48 : index
      %swap3A_76 = tpu.vector_load %arg8[%swap3A_74, %swap3A_75] {strides = array<i32>} : memref<128x128xf32, #tpu.memory_space<vmem>>, vector<1x16xf32>,
      %swap3A_77 = vector.shape_cast %swap3A_76 : vector<1x16xf32> to vector<16xf32>
      %swap3A_78 = vector.shape_cast %broadcast_in_dim3A_73 : vector<16xf32> to vector<1x16xf32>
      tpu.vector_store %arg8[%swap3A_74, %swap3A_75], %swap3A_78 {strides = array<i32>} : memref<128x128xf32, #tpu.memory_space<vmem>>, vector<1x16xf32>,
      %broadcast_in_dim3A_79 = arith.constant 0.000000e+00 : f32
      %broadcast_in_dim3A_80 = vector.broadcast %broadcast_in_dim3A_79 : f32 to vector<16xf32>
      %swap3A_81 = arith.index_cast %scan3A_52 : i32 to index
      %swap3A_82 = arith.constant 64 : index
      %swap3A_83 = tpu.vector_load %arg8[%swap3A_81, %swap3A_82] {strides = array<i32>} : memref<128x128xf32, #tpu.memory_space<vmem>>, vector<1x16xf32>,
      %swap3A_84 = vector.shape_cast %swap3A_83 : vector<1x16xf32> to vector<16xf32>
      %swap3A_85 = vector.shape_cast %broadcast_in_dim3A_80 : vector<16xf32> to vector<1x16xf32>
      tpu.vector_store %arg8[%swap3A_81, %swap3A_82], %swap3A_85 {strides = array<i32>} : memref<128x128xf32, #tpu.memory_space<vmem>>, vector<1x16xf32>,
      %broadcast_in_dim3A_86 = arith.constant 0.000000e+00 : f32
      %broadcast_in_dim3A_87 = vector.broadcast %broadcast_in_dim3A_86 : f32 to vector<16xf32>
      %swap3A_88 = arith.index_cast %scan3A_52 : i32 to index
      %swap3A_89 = arith.constant 80 : index
      %swap3A_90 = tpu.vector_load %arg8[%swap3A_88, %swap3A_89] {strides = array<i32>} : memref<128x128xf32, #tpu.memory_space<vmem>>, vector<1x16xf32>,
      %swap3A_91 = vector.shape_cast %swap3A_90 : vector<1x16xf32> to vector<16xf32>
      %swap3A_92 = vector.shape_cast %broadcast_in_dim3A_87 : vector<16xf32> to vector<1x16xf32>
      tpu.vector_store %arg8[%swap3A_88, %swap3A_89], %swap3A_92 {strides = array<i32>} : memref<128x128xf32, #tpu.memory_space<vmem>>, vector<1x16xf32>,
      %broadcast_in_dim3A_93 = arith.constant 0.000000e+00 : f32
      %broadcast_in_dim3A_94 = vector.broadcast %broadcast_in_dim3A_93 : f32 to vector<16xf32>
      %swap3A_95 = arith.index_cast %scan3A_52 : i32 to index
      %swap3A_96 = arith.constant 96 : index
      %swap3A_97 = tpu.vector_load %arg8[%swap3A_95, %swap3A_96] {strides = array<i32>} : memref<128x128xf32, #tpu.memory_space<vmem>>, vector<1x16xf32>,
      %swap3A_98 = vector.shape_cast %swap3A_97 : vector<1x16xf32> to vector<16xf32>
      %swap3A_99 = vector.shape_cast %broadcast_in_dim3A_94 : vector<16xf32> to vector<1x16xf32>
      tpu.vector_store %arg8[%swap3A_95, %swap3A_96], %swap3A_99 {strides = array<i32>} : memref<128x128xf32, #tpu.memory_space<vmem>>, vector<1x16xf32>,
      %broadcast_in_dim3A_100 = arith.constant 0.000000e+00 : f32
      %broadcast_in_dim3A_101 = vector.broadcast %broadcast_in_dim3A_100 : f32 to vector<16xf32>
      %swap3A_102 = arith.index_cast %scan3A_52 : i32 to index
      %swap3A_103 = arith.constant 112 : index
      %swap3A_104 = tpu.vector_load %arg8[%swap3A_102, %swap3A_103] {strides = array<i32>} : memref<128x128xf32, #tpu.memory_space<vmem>>, vector<1x16xf32>,
      %swap3A_105 = vector.shape_cast %swap3A_104 : vector<1x16xf32> to vector<16xf32>
      %swap3A_106 = vector.shape_cast %broadcast_in_dim3A_101 : vector<16xf32> to vector<1x16xf32>
      tpu.vector_store %arg8[%swap3A_102, %swap3A_103], %swap3A_106 {strides = array<i32>} : memref<128x128xf32, #tpu.memory_space<vmem>>, vector<1x16xf32>,
    }
    %scan3A_5 = arith.constant 128 : i32
    %mul3A_6 = arith.constant 5 : i32
    %mul3A_7 = arith.muli %arg1, %mul3A_6 : i32
    %add3A_8 = arith.constant 0 : i32
    %add3A_9 = arith.addi %mul3A_7, %add3A_8 : i32
    %mul3A_10 = arith.constant 128 : i32
    %mul3A_11 = arith.muli %add3A_9, %mul3A_10 : i32
    "tpu.region"() ({
      %run_scoped3A = tpu.sem_alloc : memref<!tpu.dma_semaphore, #tpu.memory_space<semaphore_mem>>
      %dma_start3A = arith.constant 0 : i32
      %dma_start3A_52 = tpu.memref_slice %arg9[%mul3A_11, %dma_start3A] : memref<10240x128xf32, #tpu.memory_space<vmem_shared>> -> memref<128x128xf32, #tpu.memory_space<vmem_shared>>
      %dma_start3A_53 = arith.constant 0 : i32
      %dma_start3A_54 = tpu.memref_slice %arg9[%mul3A_11, %dma_start3A_53] : memref<10240x128xf32, #tpu.memory_space<vmem_shared>> -> memref<128x128xf32, #tpu.memory_space<vmem_shared>>
      tpu.enqueue_dma source(%arg8 : memref<128x128xf32, #tpu.memory_space<vmem>>) target(%dma_start3A_54 : memref<128x128xf32, #tpu.memory_space<vmem_shared>>) target_semaphore(%run_scoped3A : memref<!tpu.dma_semaphore, #tpu.memory_space<semaphore_mem>>)
      %dma_wait3A = arith.constant 0 : i32
      %dma_wait3A_55 = tpu.memref_slice %arg9[%mul3A_11, %dma_wait3A] : memref<10240x128xf32, #tpu.memory_space<vmem_shared>> -> memref<128x128xf32, #tpu.memory_space<vmem_shared>>
      %dma_wait3A_56 = arith.constant 0 : i32
      %dma_wait3A_57 = tpu.memref_slice %arg9[%mul3A_11, %dma_wait3A_56] : memref<10240x128xf32, #tpu.memory_space<vmem_shared>> -> memref<128x128xf32, #tpu.memory_space<vmem_shared>>
      tpu.wait_dma2 semaphore(%run_scoped3A : memref<!tpu.dma_semaphore, #tpu.memory_space<semaphore_mem>>) src(%arg8 : memref<128x128xf32, #tpu.memory_space<vmem>>) dst(%dma_wait3A_57 : memref<128x128xf32, #tpu.memory_space<vmem_shared>>)
      tpu.yield
    }) : () -> ()
    %mul3A_12 = arith.constant 5 : i32
    %mul3A_13 = arith.muli %arg1, %mul3A_12 : i32
    %add3A_14 = arith.constant 1 : i32
    %add3A_15 = arith.addi %mul3A_13, %add3A_14 : i32
    %mul3A_16 = arith.constant 128 : i32
    %mul3A_17 = arith.muli %add3A_15, %mul3A_16 : i32
    "tpu.region"() ({
      %run_scoped3A = tpu.sem_alloc : memref<!tpu.dma_semaphore, #tpu.memory_space<semaphore_mem>>
      %dma_start3A = arith.constant 0 : i32
      %dma_start3A_52 = tpu.memref_slice %arg9[%mul3A_17, %dma_start3A] : memref<10240x128xf32, #tpu.memory_space<vmem_shared>> -> memref<128x128xf32, #tpu.memory_space<vmem_shared>>
      %dma_start3A_53 = arith.constant 0 : i32
      %dma_start3A_54 = tpu.memref_slice %arg9[%mul3A_17, %dma_start3A_53] : memref<10240x128xf32, #tpu.memory_space<vmem_shared>> -> memref<128x128xf32, #tpu.memory_space<vmem_shared>>
      tpu.enqueue_dma source(%arg8 : memref<128x128xf32, #tpu.memory_space<vmem>>) target(%dma_start3A_54 : memref<128x128xf32, #tpu.memory_space<vmem_shared>>) target_semaphore(%run_scoped3A : memref<!tpu.dma_semaphore, #tpu.memory_space<semaphore_mem>>)
      %dma_wait3A = arith.constant 0 : i32
      %dma_wait3A_55 = tpu.memref_slice %arg9[%mul3A_17, %dma_wait3A] : memref<10240x128xf32, #tpu.memory_space<vmem_shared>> -> memref<128x128xf32, #tpu.memory_space<vmem_shared>>
      %dma_wait3A_56 = arith.constant 0 : i32
      %dma_wait3A_57 = tpu.memref_slice %arg9[%mul3A_17, %dma_wait3A_56] : memref<10240x128xf32, #tpu.memory_space<vmem_shared>> -> memref<128x128xf32, #tpu.memory_space<vmem_shared>>
      tpu.wait_dma2 semaphore(%run_scoped3A : memref<!tpu.dma_semaphore, #tpu.memory_space<semaphore_mem>>) src(%arg8 : memref<128x128xf32, #tpu.memory_space<vmem>>) dst(%dma_wait3A_57 : memref<128x128xf32, #tpu.memory_space<vmem_shared>>)
      tpu.yield
    }) : () -> ()
    %mul3A_18 = arith.constant 5 : i32
    %mul3A_19 = arith.muli %arg1, %mul3A_18 : i32
    %add3A_20 = arith.constant 2 : i32
    %add3A_21 = arith.addi %mul3A_19, %add3A_20 : i32
    %mul3A_22 = arith.constant 128 : i32
    %mul3A_23 = arith.muli %add3A_21, %mul3A_22 : i32
    "tpu.region"() ({
      %run_scoped3A = tpu.sem_alloc : memref<!tpu.dma_semaphore, #tpu.memory_space<semaphore_mem>>
      %dma_start3A = arith.constant 0 : i32
      %dma_start3A_52 = tpu.memref_slice %arg9[%mul3A_23, %dma_start3A] : memref<10240x128xf32, #tpu.memory_space<vmem_shared>> -> memref<128x128xf32, #tpu.memory_space<vmem_shared>>
      %dma_start3A_53 = arith.constant 0 : i32
      %dma_start3A_54 = tpu.memref_slice %arg9[%mul3A_23, %dma_start3A_53] : memref<10240x128xf32, #tpu.memory_space<vmem_shared>> -> memref<128x128xf32, #tpu.memory_space<vmem_shared>>
      tpu.enqueue_dma source(%arg8 : memref<128x128xf32, #tpu.memory_space<vmem>>) target(%dma_start3A_54 : memref<128x128xf32, #tpu.memory_space<vmem_shared>>) target_semaphore(%run_scoped3A : memref<!tpu.dma_semaphore, #tpu.memory_space<semaphore_mem>>)
      %dma_wait3A = arith.constant 0 : i32
      %dma_wait3A_55 = tpu.memref_slice %arg9[%mul3A_23, %dma_wait3A] : memref<10240x128xf32, #tpu.memory_space<vmem_shared>> -> memref<128x128xf32, #tpu.memory_space<vmem_shared>>
      %dma_wait3A_56 = arith.constant 0 : i32
      %dma_wait3A_57 = tpu.memref_slice %arg9[%mul3A_23, %dma_wait3A_56] : memref<10240x128xf32, #tpu.memory_space<vmem_shared>> -> memref<128x128xf32, #tpu.memory_space<vmem_shared>>
      tpu.wait_dma2 semaphore(%run_scoped3A : memref<!tpu.dma_semaphore, #tpu.memory_space<semaphore_mem>>) src(%arg8 : memref<128x128xf32, #tpu.memory_space<vmem>>) dst(%dma_wait3A_57 : memref<128x128xf32, #tpu.memory_space<vmem_shared>>)
      tpu.yield
    }) : () -> ()
    %mul3A_24 = arith.constant 5 : i32
    %mul3A_25 = arith.muli %arg1, %mul3A_24 : i32
    %add3A_26 = arith.constant 3 : i32
    %add3A_27 = arith.addi %mul3A_25, %add3A_26 : i32
    %mul3A_28 = arith.constant 128 : i32
    %mul3A_29 = arith.muli %add3A_27, %mul3A_28 : i32
    "tpu.region"() ({
      %run_scoped3A = tpu.sem_alloc : memref<!tpu.dma_semaphore, #tpu.memory_space<semaphore_mem>>
      %dma_start3A = arith.constant 0 : i32
      %dma_start3A_52 = tpu.memref_slice %arg9[%mul3A_29, %dma_start3A] : memref<10240x128xf32, #tpu.memory_space<vmem_shared>> -> memref<128x128xf32, #tpu.memory_space<vmem_shared>>
      %dma_start3A_53 = arith.constant 0 : i32
      %dma_start3A_54 = tpu.memref_slice %arg9[%mul3A_29, %dma_start3A_53] : memref<10240x128xf32, #tpu.memory_space<vmem_shared>> -> memref<128x128xf32, #tpu.memory_space<vmem_shared>>
      tpu.enqueue_dma source(%arg8 : memref<128x128xf32, #tpu.memory_space<vmem>>) target(%dma_start3A_54 : memref<128x128xf32, #tpu.memory_space<vmem_shared>>) target_semaphore(%run_scoped3A : memref<!tpu.dma_semaphore, #tpu.memory_space<semaphore_mem>>)
      %dma_wait3A = arith.constant 0 : i32
      %dma_wait3A_55 = tpu.memref_slice %arg9[%mul3A_29, %dma_wait3A] : memref<10240x128xf32, #tpu.memory_space<vmem_shared>> -> memref<128x128xf32, #tpu.memory_space<vmem_shared>>
      %dma_wait3A_56 = arith.constant 0 : i32
      %dma_wait3A_57 = tpu.memref_slice %arg9[%mul3A_29, %dma_wait3A_56] : memref<10240x128xf32, #tpu.memory_space<vmem_shared>> -> memref<128x128xf32, #tpu.memory_space<vmem_shared>>
      tpu.wait_dma2 semaphore(%run_scoped3A : memref<!tpu.dma_semaphore, #tpu.memory_space<semaphore_mem>>) src(%arg8 : memref<128x128xf32, #tpu.memory_space<vmem>>) dst(%dma_wait3A_57 : memref<128x128xf32, #tpu.memory_space<vmem_shared>>)
      tpu.yield
    }) : () -> ()
    %mul3A_30 = arith.constant 5 : i32
    %mul3A_31 = arith.muli %arg1, %mul3A_30 : i32
    %add3A_32 = arith.constant 4 : i32
    %add3A_33 = arith.addi %mul3A_31, %add3A_32 : i32
    %mul3A_34 = arith.constant 128 : i32
    %mul3A_35 = arith.muli %add3A_33, %mul3A_34 : i32
    "tpu.region"() ({
      %run_scoped3A = tpu.sem_alloc : memref<!tpu.dma_semaphore, #tpu.memory_space<semaphore_mem>>
      %dma_start3A = arith.constant 0 : i32
      %dma_start3A_52 = tpu.memref_slice %arg9[%mul3A_35, %dma_start3A] : memref<10240x128xf32, #tpu.memory_space<vmem_shared>> -> memref<128x128xf32, #tpu.memory_space<vmem_shared>>
      %dma_start3A_53 = arith.constant 0 : i32
      %dma_start3A_54 = tpu.memref_slice %arg9[%mul3A_35, %dma_start3A_53] : memref<10240x128xf32, #tpu.memory_space<vmem_shared>> -> memref<128x128xf32, #tpu.memory_space<vmem_shared>>
      tpu.enqueue_dma source(%arg8 : memref<128x128xf32, #tpu.memory_space<vmem>>) target(%dma_start3A_54 : memref<128x128xf32, #tpu.memory_space<vmem_shared>>) target_semaphore(%run_scoped3A : memref<!tpu.dma_semaphore, #tpu.memory_space<semaphore_mem>>)
      %dma_wait3A = arith.constant 0 : i32
      %dma_wait3A_55 = tpu.memref_slice %arg9[%mul3A_35, %dma_wait3A] : memref<10240x128xf32, #tpu.memory_space<vmem_shared>> -> memref<128x128xf32, #tpu.memory_space<vmem_shared>>
      %dma_wait3A_56 = arith.constant 0 : i32
      %dma_wait3A_57 = tpu.memref_slice %arg9[%mul3A_35, %dma_wait3A_56] : memref<10240x128xf32, #tpu.memory_space<vmem_shared>> -> memref<128x128xf32, #tpu.memory_space<vmem_shared>>
      tpu.wait_dma2 semaphore(%run_scoped3A : memref<!tpu.dma_semaphore, #tpu.memory_space<semaphore_mem>>) src(%arg8 : memref<128x128xf32, #tpu.memory_space<vmem>>) dst(%dma_wait3A_57 : memref<128x128xf32, #tpu.memory_space<vmem_shared>>)
      tpu.yield
    }) : () -> ()
    %mul3A_36 = arith.constant 80 : i32
    %mul3A_37 = arith.muli %add3A, %mul3A_36 : i32
    "tpu.region"() ({
      %run_scoped3A = tpu.sem_alloc : memref<!tpu.dma_semaphore, #tpu.memory_space<semaphore_mem>>
      %dma_start3A = arith.constant 0 : i32
      %dma_start3A_52 = tpu.memref_slice %arg2[%mul3A_37, %dma_start3A] : memref<2560x128xi32, #tpu.memory_space<hbm>> -> memref<80x128xi32, #tpu.memory_space<hbm>>
      %dma_start3A_53 = arith.constant 0 : i32
      %dma_start3A_54 = tpu.memref_slice %arg2[%mul3A_37, %dma_start3A_53] : memref<2560x128xi32, #tpu.memory_space<hbm>> -> memref<80x128xi32, #tpu.memory_space<hbm>>
      tpu.enqueue_dma source(%dma_start3A_54 : memref<80x128xi32, #tpu.memory_space<hbm>>) target(%arg6 : memref<80x128xi32, #tpu.memory_space<vmem>>) target_semaphore(%run_scoped3A : memref<!tpu.dma_semaphore, #tpu.memory_space<semaphore_mem>>)
      %dma_wait3A = arith.constant 0 : i32
      %dma_wait3A_55 = tpu.memref_slice %arg2[%mul3A_37, %dma_wait3A] : memref<2560x128xi32, #tpu.memory_space<hbm>> -> memref<80x128xi32, #tpu.memory_space<hbm>>
      %dma_wait3A_56 = arith.constant 0 : i32
      %dma_wait3A_57 = tpu.memref_slice %arg2[%mul3A_37, %dma_wait3A_56] : memref<2560x128xi32, #tpu.memory_space<hbm>> -> memref<80x128xi32, #tpu.memory_space<hbm>>
      tpu.wait_dma2 semaphore(%run_scoped3A : memref<!tpu.dma_semaphore, #tpu.memory_space<semaphore_mem>>) src(%dma_wait3A_57 : memref<80x128xi32, #tpu.memory_space<hbm>>) dst(%arg6 : memref<80x128xi32, #tpu.memory_space<vmem>>)
      tpu.yield
    }) : () -> ()
    "tpu.region"() ({
      %run_scoped3A = tpu.sem_alloc : memref<!tpu.dma_semaphore, #tpu.memory_space<semaphore_mem>>
      %dma_start3A = arith.constant 0 : i32
      %dma_start3A_52 = tpu.memref_slice %arg3[%mul3A_37, %dma_start3A] : memref<2560x128xi32, #tpu.memory_space<hbm>> -> memref<80x128xi32, #tpu.memory_space<hbm>>
      %dma_start3A_53 = arith.constant 0 : i32
      %dma_start3A_54 = tpu.memref_slice %arg3[%mul3A_37, %dma_start3A_53] : memref<2560x128xi32, #tpu.memory_space<hbm>> -> memref<80x128xi32, #tpu.memory_space<hbm>>
      tpu.enqueue_dma source(%dma_start3A_54 : memref<80x128xi32, #tpu.memory_space<hbm>>) target(%arg7 : memref<80x128xi32, #tpu.memory_space<vmem>>) target_semaphore(%run_scoped3A : memref<!tpu.dma_semaphore, #tpu.memory_space<semaphore_mem>>)
      %dma_wait3A = arith.constant 0 : i32
      %dma_wait3A_55 = tpu.memref_slice %arg3[%mul3A_37, %dma_wait3A] : memref<2560x128xi32, #tpu.memory_space<hbm>> -> memref<80x128xi32, #tpu.memory_space<hbm>>
      %dma_wait3A_56 = arith.constant 0 : i32
      %dma_wait3A_57 = tpu.memref_slice %arg3[%mul3A_37, %dma_wait3A_56] : memref<2560x128xi32, #tpu.memory_space<hbm>> -> memref<80x128xi32, #tpu.memory_space<hbm>>
      tpu.wait_dma2 semaphore(%run_scoped3A : memref<!tpu.dma_semaphore, #tpu.memory_space<semaphore_mem>>) src(%dma_wait3A_57 : memref<80x128xi32, #tpu.memory_space<hbm>>) dst(%arg7 : memref<80x128xi32, #tpu.memory_space<vmem>>)
      tpu.yield
    }) : () -> ()
    %barrier3A = arith.constant 0 : index
    tpu.barrier barrier_id(%barrier3A)
    %scan3A_38 = arith.constant 0 : i32
    %scan3A_39 = arith.constant 0 : i32
    %scan3A_40 = arith.constant 80 : i32
    %scan3A_41 = arith.addi %scan3A_39, %scan3A_40 : i32
    %scan3A_42 = arith.constant 1 : i32
    scf.for %scan3A_52 = %scan3A_39 to %scan3A_41 step %scan3A_42  : i32 {
      %dma_start3A = arith.constant 0 : i32
      %dma_start3A_53 = tpu.memref_slice %arg6[%scan3A_52, %dma_start3A] : memref<80x128xi32, #tpu.memory_space<vmem>> -> memref<1x128xi32, #tpu.memory_space<vmem>>
      %dma_start3A_54 = tpu.memref_squeeze %dma_start3A_53 : memref<1x128xi32, #tpu.memory_space<vmem>> -> memref<128xi32, #tpu.memory_space<vmem>>
      %dma_start3A_55 = arith.constant 0 : i32
      %dma_start3A_56 = arith.constant 0 : i32
      %dma_start3A_57 = tpu.memref_slice %arg4[%dma_start3A_55, %dma_start3A_56] : memref<10000x128xf32, #tpu.memory_space<hbm>> -> memref<10000x128xf32, #tpu.memory_space<hbm>>
      tpu.enqueue_indirect_dma source(%dma_start3A_57 : memref<10000x128xf32, #tpu.memory_space<hbm>>) target(%arg8 : memref<128x128xf32, #tpu.memory_space<vmem>>) offsets(%dma_start3A_54 : memref<128xi32, #tpu.memory_space<vmem>>) semaphore(%arg10 : memref<!tpu.dma_semaphore, #tpu.memory_space<semaphore_mem>>)
      %dma_wait3A = arith.constant 0 : i32
      %dma_wait3A_58 = tpu.memref_slice %arg6[%scan3A_52, %dma_wait3A] : memref<80x128xi32, #tpu.memory_space<vmem>> -> memref<1x128xi32, #tpu.memory_space<vmem>>
      %dma_wait3A_59 = tpu.memref_squeeze %dma_wait3A_58 : memref<1x128xi32, #tpu.memory_space<vmem>> -> memref<128xi32, #tpu.memory_space<vmem>>
      %dma_wait3A_60 = arith.constant 0 : i32
      %dma_wait3A_61 = arith.constant 0 : i32
      %dma_wait3A_62 = tpu.memref_slice %arg4[%dma_wait3A_60, %dma_wait3A_61] : memref<10000x128xf32, #tpu.memory_space<hbm>> -> memref<10000x128xf32, #tpu.memory_space<hbm>>
      tpu.wait_indirect_dma semaphore(%arg10 : memref<!tpu.dma_semaphore, #tpu.memory_space<semaphore_mem>>) src(%dma_wait3A_62 : memref<10000x128xf32, #tpu.memory_space<hbm>>) dst(%arg8 : memref<128x128xf32, #tpu.memory_space<vmem>>)
      "tpu.region"() ({
        %run_scoped3A = tpu.sem_alloc : memref<!tpu.dma_semaphore, #tpu.memory_space<semaphore_mem>>
        %dma_start3A_63 = arith.constant 0 : i32
        %dma_start3A_64 = tpu.memref_slice %arg7[%scan3A_52, %dma_start3A_63] : memref<80x128xi32, #tpu.memory_space<vmem>> -> memref<1x128xi32, #tpu.memory_space<vmem>>
        %dma_start3A_65 = tpu.memref_squeeze %dma_start3A_64 : memref<1x128xi32, #tpu.memory_space<vmem>> -> memref<128xi32, #tpu.memory_space<vmem>>
        %dma_start3A_66 = arith.constant 0 : i32
        %dma_start3A_67 = arith.constant 0 : i32
        %dma_start3A_68 = tpu.memref_slice %arg9[%dma_start3A_66, %dma_start3A_67] : memref<10240x128xf32, #tpu.memory_space<vmem_shared>> -> memref<10240x128xf32, #tpu.memory_space<vmem_shared>>
        tpu.enqueue_indirect_dma source(%arg8 : memref<128x128xf32, #tpu.memory_space<vmem>>) target(%dma_start3A_68 : memref<10240x128xf32, #tpu.memory_space<vmem_shared>>) offsets(%dma_start3A_65 : memref<128xi32, #tpu.memory_space<vmem>>) semaphore(%run_scoped3A : memref<!tpu.dma_semaphore, #tpu.memory_space<semaphore_mem>>) {add = true}
        %dma_wait3A_69 = arith.constant 0 : i32
        %dma_wait3A_70 = tpu.memref_slice %arg7[%scan3A_52, %dma_wait3A_69] : memref<80x128xi32, #tpu.memory_space<vmem>> -> memref<1x128xi32, #tpu.memory_space<vmem>>
        %dma_wait3A_71 = tpu.memref_squeeze %dma_wait3A_70 : memref<1x128xi32, #tpu.memory_space<vmem>> -> memref<128xi32, #tpu.memory_space<vmem>>
        %dma_wait3A_72 = arith.constant 0 : i32
        %dma_wait3A_73 = arith.constant 0 : i32
        %dma_wait3A_74 = tpu.memref_slice %arg9[%dma_wait3A_72, %dma_wait3A_73] : memref<10240x128xf32, #tpu.memory_space<vmem_shared>> -> memref<10240x128xf32, #tpu.memory_space<vmem_shared>>
        tpu.wait_indirect_dma semaphore(%run_scoped3A : memref<!tpu.dma_semaphore, #tpu.memory_space<semaphore_mem>>) src(%arg8 : memref<128x128xf32, #tpu.memory_space<vmem>>) dst(%dma_wait3A_74 : memref<10240x128xf32, #tpu.memory_space<vmem_shared>>)
        tpu.yield
      }) : () -> ()
    }
    %scan3A_43 = arith.constant 80 : i32
    %barrier3A_44 = arith.constant 0 : index
    tpu.barrier barrier_id(%barrier3A_44)
    %mul3A_45 = arith.constant 632 : i32
    %mul3A_46 = arith.muli %arg1, %mul3A_45 : i32
    %mul3A_47 = arith.constant 10112 : i32
    %mul3A_48 = arith.muli %arg0, %mul3A_47 : i32
    %mul3A_49 = arith.constant 632 : i32
    %mul3A_50 = arith.muli %arg1, %mul3A_49 : i32
    %add3A_51 = arith.addi %mul3A_48, %mul3A_50 : i32
    "tpu.region"() ({
      %run_scoped3A = tpu.sem_alloc : memref<!tpu.dma_semaphore, #tpu.memory_space<semaphore_mem>>
      %dma_start3A = arith.constant 0 : i32
      %dma_start3A_52 = tpu.memref_slice %arg5[%add3A_51, %dma_start3A] : memref<20224x128xf32, #tpu.memory_space<hbm>> -> memref<632x128xf32, #tpu.memory_space<hbm>>
      %dma_start3A_53 = arith.constant 0 : i32
      %dma_start3A_54 = tpu.memref_slice %arg9[%mul3A_46, %dma_start3A_53] : memref<10240x128xf32, #tpu.memory_space<vmem_shared>> -> memref<632x128xf32, #tpu.memory_space<vmem_shared>>
      tpu.enqueue_dma source(%dma_start3A_54 : memref<632x128xf32, #tpu.memory_space<vmem_shared>>) target(%dma_start3A_52 : memref<632x128xf32, #tpu.memory_space<hbm>>) target_semaphore(%run_scoped3A : memref<!tpu.dma_semaphore, #tpu.memory_space<semaphore_mem>>)
      %dma_wait3A = arith.constant 0 : i32
      %dma_wait3A_55 = tpu.memref_slice %arg5[%add3A_51, %dma_wait3A] : memref<20224x128xf32, #tpu.memory_space<hbm>> -> memref<632x128xf32, #tpu.memory_space<hbm>>
      %dma_wait3A_56 = arith.constant 0 : i32
      %dma_wait3A_57 = tpu.memref_slice %arg9[%mul3A_46, %dma_wait3A_56] : memref<10240x128xf32, #tpu.memory_space<vmem_shared>> -> memref<632x128xf32, #tpu.memory_space<vmem_shared>>
      tpu.wait_dma2 semaphore(%run_scoped3A : memref<!tpu.dma_semaphore, #tpu.memory_space<semaphore_mem>>) src(%dma_wait3A_57 : memref<632x128xf32, #tpu.memory_space<vmem_shared>>) dst(%dma_wait3A_55 : memref<632x128xf32, #tpu.memory_space<hbm>>)
      tpu.yield
    }) : () -> ()
    return
  }
}

module attributes {stable_mosaic.version = 14 : i64} {
  func.func @body(%arg0: i32, %arg1: memref<1xf32, #tpu.memory_space<smem>>, %arg2: memref<1000x128xf32, #tpu.memory_space<vmem>>, %arg3: memref<1000x128xf32, #tpu.memory_space<vmem>>, %arg4: memref<1000x128xf32, #tpu.memory_space<vmem>>, %arg5: memref<1000x128xf32, #tpu.memory_space<vmem>>) attributes {dimension_semantics = [#tpu.dimension_semantics<arbitrary>], iteration_bounds = array<i64: 10>, scalar_prefetch = 0 : i64, scratch_operands = 0 : i64, tpu.core_type = #tpu.core_type<tc>, window_params = [{transform_indices = @transform_0, window_bounds = array<i64: 1>}, {transform_indices = @transform_1, window_bounds = array<i64: 1000, 128>}, {transform_indices = @transform_2, window_bounds = array<i64: 1000, 128>}, {transform_indices = @transform_3, window_bounds = array<i64: 1000, 128>}, {transform_indices = @transform_4, window_bounds = array<i64: 1000, 128>}]} {
    %get3A = arith.constant 0 : index
    %get3A_0 = memref.load %arg1[%get3A] : memref<1xf32, #tpu.memory_space<smem>>
    %add3A = arith.constant 1.000000e+00 : f32
    %add3A_1 = arith.addf %add3A, %get3A_0 : f32
    %get3A_2 = arith.constant 0 : index
    %get3A_3 = arith.constant 0 : index
    %get3A_4 = vector.load %arg2[%get3A_2, %get3A_3] : memref<1000x128xf32, #tpu.memory_space<vmem>>, vector<1000x128xf32>
    %mul3A = vector.broadcast %add3A_1 : f32 to vector<1000x128xf32>
    %mul3A_5 = arith.mulf %mul3A, %get3A_4 : vector<1000x128xf32>
    %get3A_6 = arith.constant 0 : index
    %get3A_7 = arith.constant 0 : index
    %get3A_8 = vector.load %arg3[%get3A_6, %get3A_7] : memref<1000x128xf32, #tpu.memory_space<vmem>>, vector<1000x128xf32>
    %add3A_9 = arith.addf %mul3A_5, %get3A_8 : vector<1000x128xf32>
    %get3A_10 = arith.constant 0 : index
    %get3A_11 = arith.constant 0 : index
    %get3A_12 = vector.load %arg4[%get3A_10, %get3A_11] : memref<1000x128xf32, #tpu.memory_space<vmem>>, vector<1000x128xf32>
    %add3A_13 = arith.addf %add3A_9, %get3A_12 : vector<1000x128xf32>
    %swap3A = arith.constant 0 : index
    %swap3A_14 = arith.constant 0 : index
    %swap3A_15 = vector.load %arg5[%swap3A, %swap3A_14] : memref<1000x128xf32, #tpu.memory_space<vmem>>, vector<1000x128xf32>
    tpu.vector_store %arg5[%swap3A, %swap3A_14], %add3A_13 {strides = array<i32>} : memref<1000x128xf32, #tpu.memory_space<vmem>>, vector<1000x128xf32>,
    return
  }
  func.func @transform_0(%arg0: i32) -> i32 {
    %c0_i32 = arith.constant 0 : i32
    %c0_i32_0 = arith.constant 0 : i32
    return %c0_i32 : i32
  }
  func.func @transform_1(%arg0: i32) -> (i32, i32) {
    %c0_i32 = arith.constant 0 : i32
    %c0_i32_0 = arith.constant 0 : i32
    return %arg0, %c0_i32 : i32, i32
  }
  func.func @transform_2(%arg0: i32) -> (i32, i32) {
    %c0_i32 = arith.constant 0 : i32
    %c0_i32_0 = arith.constant 0 : i32
    return %arg0, %c0_i32 : i32, i32
  }
  func.func @transform_3(%arg0: i32) -> (i32, i32) {
    %c0_i32 = arith.constant 0 : i32
    %c0_i32_0 = arith.constant 0 : i32
    return %arg0, %c0_i32 : i32, i32
  }
  func.func @transform_4(%arg0: i32) -> (i32, i32) {
    %c0_i32 = arith.constant 0 : i32
    %c0_i32_0 = arith.constant 0 : i32
    return %arg0, %c0_i32 : i32, i32
  }
}

</mosaic_0001>

<sc_bundles>
// kernel: kernel.4.cloned.1.call-start
scs
__scs_entry_jumppad:
0x0: {  	(pc) =	sbr.rel $0x88, $3  }
0x1: {  	(tag) =	ssettag $0x0;
	lr =	simm.s32 $0x1  }
0x2: {  	[smem:$0x3F9E] =	sst lr;
	_ =	strace $0xD0000000  }
0x3: {  	_ = 	snop  }
0x4: {  	_ = 	snop  }
0x5: {  	_ = 	snop  }
0x6: {  	_ = 	snop  }
0x7: {  	_ = 	snop  }
__scs_overlays_trampoline_lowered:
0x8: {  	[smem:$0x3FAD] =	sst s0  }
0x9: {  	[smem:$0x3FAE] =	sst s1  }
0xa: {  	[smem:$0x3FAF] =	sst s2  }
0xb: {  	[smem:$0x3FB0] =	sst s3  }
0xc: {  	[smem:$0x3FB1] =	sst s4  }
0xd: {  	[smem:$0x3FB2] =	sst s5  }
0xe: {  	[smem:$0x3FB3] =	sst s6  }
0xf: {  	[smem:$0x3FB4] =	sst s7  }
0x10: {  	[smem:$0x3FB5] =	sst s8  }
0x11: {  	[smem:$0x3FB6] =	sst s9;
	s0 =	simm.s32 @!p0 $0x0  }
0x12: {  	s1 =	sld [smem:$0x3F9C];
	s0 =	simm.s32 @p0 $0x1  }
0x13: {  	[smem:$0x3FB7] =	sst s0;
	s0 =	simm.s32 @!p1 $0x0  }
0x14: {  	s2 =	sld [smem:$0x3F9B];
	s0 =	simm.s32 @p1 $0x1  }
0x15: {  	[smem:$0x3FB8] =	sst s0;
	s0 =	simm.s32 @!p2 $0x0  }
0x16: {  	s3 =	sld [smem:$0x3FDB];
	s0 =	simm.s32 @p2 $0x1  }
0x17: {  	s4 =	simm.s32 $0x1BF5;
	[smem:$0x3FBA] =	sst s0  }
0x18: {  	s0 =	sld [smem:$0x3F9D];
	_ =	swait.ge [sflag:s4], $0x0  }
0x19: {  	s7 =	sld [smem:$0x3F9E]  }
0x1a: {  	s8 =	sadd.s32 $0xFFFFE003, lr  }
0x1b: {  	s9 =	sadd.s32 $0xFFFFFEF7, lr;
	s5 =	simm.s32 $0xFFFFFFFF;
	p2 =	slt.u32 s8, $0xFFFFF086  }
0x1c: {  	p1 =	slt.u32 s9, $0xF7A;
	s5 =	simm.s32 @!p2 $0x0  }
0x1d: {  	s5 =	simm.s32 @p1 $0x1;
	p0 =	seq.s32 s7, s2  }
0x1e: {  	s7 =	smul.u32 @!p0 $0xF7A, s2;
	p2 =	seq.s32 @!p0 s5, $0x0  }
0x1f: {  	s9 =	smul.u32 $0xF7A, s1;
	s8 =	simm.s32 @!p0 $0x1BF5;
	p2 =	por !p2, p0  }
0x20: {  	[sflag:s8] =	ssyncset.s32 @!p0 $0xFFFFF086;
	s6 =	sadd.s32 @!p0 s3, s7;
	s7 =	simm.s32 @!p0 $0x108  }
0x21: {  	s3 =	sadd.s32 s3, s9;
	s6 =	sadd.s32 @!p0 $0x88, s6;
	s7 =	simm.s32 @p2 $0x1082  }
0x22: {  	[simem:s7], [sflag:s8] =	dma.local @!p0 [hbm:s6], $0xF7A  }
0x23: {  	s9 =	sor.u32 $0xD0000000, s2;
	s6 =	simm.s32 $0x108;
	_ =	swait.ge @!p0 [sflag:s8], $0x0  }
0x24: {  	s3 =	sadd.s32 $0x88, s3;
	s6 =	simm.s32 @!p1 $0x1082;
	[sflag:s4] =	ssyncset.s32 $0xFFFFF086  }
0x25: {  	[simem:s6], [sflag:s4] =	dma.local [hbm:s3], $0xF7A  }
0x26: {  	[smem:$0x3F9E] =	sst s1;
	(tag) =	ssettag s2;
	_ =	strace s9  }
0x27: {  	s1 =	sld [smem:$0x3FAE]  }
0x28: {  	s2 =	sld [smem:$0x3FAF]  }
0x29: {  	s4 =	sld [smem:$0x3FB1]  }
0x2a: {  	p0 =	seq.s32 s5, $0x0;
	s5 =	sld [smem:$0x3FB2]  }
0x2b: {  	s6 =	sld [smem:$0x3FB3]  }
0x2c: {  	s7 =	sld [smem:$0x3FB4]  }
0x2d: {  	s3 =	simm.s32 $0x108;
	s8 =	sld [smem:$0x3FB5]  }
0x2e: {  	s3 =	simm.s32 @!p0 $0x1082;
	s9 =	sld [smem:$0x3FB6]  }
0x2f: {  	lr =	sadd.s32 s0, s3;
	s0 =	sld [smem:$0x3FAD]  }
0x30: {  	s3 =	sld [smem:$0x3FB0]  }
0x31: {  	[smem:$0x3FB9] =	sst s10  }
0x32: {  	s10 =	sld [smem:$0x3FB7];
	_ =	sdelay $0x3  }
0x33: {  	p0 =	seq.s32 s10, $0x1;
	s10 =	sld [smem:$0x3FB9];
	_ =	sdelay $0x3  }
0x34: {  	[smem:$0x3FB9] =	sst s10  }
0x35: {  	s10 =	sld [smem:$0x3FB8];
	_ =	sdelay $0x3  }
0x36: {  	p1 =	seq.s32 s10, $0x1;
	s10 =	sld [smem:$0x3FB9];
	_ =	sdelay $0x3  }
0x37: {  	[smem:$0x3FB9] =	sst s10  }
0x38: {  	s10 =	sld [smem:$0x3FBA]  }
0x39: {  	_ = 	snop;
	(pc) =	sbr.ind lr, $3  }
0x3a: {  	_ = 	snop  }
0x3b: {  	_ = 	snop  }
0x3c: {  	p2 =	seq.s32 s10, $0x1;
	s10 =	sld [smem:$0x3FB9]  }
0x3d: {  	_ =	shalt  }
0x3e: {  	_ =	shalt  }
0x3f: {  	_ =	shalt  }
0x40: {  	_ =	shalt  }
0x41: {  	_ =	shalt  }
0x42: {  	_ =	shalt  }
0x43: {  	_ =	shalt  }
0x44: {  	_ =	shalt  }
0x45: {  	_ =	shalt  }
0x46: {  	_ =	shalt  }
0x47: {  	_ =	shalt  }
0x48: {  	_ =	shalt  }
0x49: {  	_ =	shalt  }
0x4a: {  	_ =	shalt  }
0x4b: {  	_ =	shalt  }
0x4c: {  	_ =	shalt  }
0x4d: {  	_ =	shalt  }
0x4e: {  	_ =	shalt  }
0x4f: {  	_ =	shalt  }
0x50: {  	_ =	shalt  }
0x51: {  	_ =	shalt  }
0x52: {  	_ =	shalt  }
0x53: {  	_ =	shalt  }
0x54: {  	_ =	shalt  }
0x55: {  	_ =	shalt  }
0x56: {  	_ =	shalt  }
0x57: {  	_ =	shalt  }
0x58: {  	_ =	shalt  }
0x59: {  	_ =	shalt  }
0x5a: {  	_ =	shalt  }
0x5b: {  	_ =	shalt  }
0x5c: {  	_ =	shalt  }
0x5d: {  	_ =	shalt  }
0x5e: {  	_ =	shalt  }
0x5f: {  	_ =	shalt  }
0x60: {  	_ =	shalt  }
0x61: {  	_ =	shalt  }
0x62: {  	_ =	shalt  }
0x63: {  	_ =	shalt  }
0x64: {  	_ =	shalt  }
0x65: {  	_ =	shalt  }
0x66: {  	_ =	shalt  }
0x67: {  	_ =	shalt  }
0x68: {  	_ =	shalt  }
0x69: {  	_ =	shalt  }
0x6a: {  	_ =	shalt  }
0x6b: {  	_ =	shalt  }
0x6c: {  	_ =	shalt  }
0x6d: {  	_ =	shalt  }
0x6e: {  	_ =	shalt  }
0x6f: {  	_ =	shalt  }
0x70: {  	_ =	shalt  }
0x71: {  	_ =	shalt  }
0x72: {  	_ =	shalt  }
0x73: {  	_ =	shalt  }
0x74: {  	_ =	shalt  }
0x75: {  	_ =	shalt  }
0x76: {  	_ =	shalt  }
0x77: {  	_ =	shalt  }
0x78: {  	_ =	shalt  }
0x79: {  	_ =	shalt  }
0x7a: {  	_ =	shalt  }
0x7b: {  	_ =	shalt  }
0x7c: {  	_ =	shalt  }
0x7d: {  	_ =	shalt  }
0x7e: {  	_ =	shalt  }
0x7f: {  	_ =	shalt  }
0x80: {  	_ =	shalt  }
0x81: {  	_ =	shalt  }
0x82: {  	_ =	shalt  }
0x83: {  	_ =	shalt  }
0x84: {  	_ =	shalt  }
0x85: {  	_ =	shalt  }
0x86: {  	_ =	shalt  }
0x87: {  	_ =	shalt  }
.Lfunc_end0:
.L_simem_size_0:
called_computation_lowered:
.L_overlay_start_0:
0x88: {  	s2 =	sld [smem:$0x3FD9]  }
0x89: {  	s3 =	sld [smem:$0x3FFE];
	_ =	sdelay $0x1  }
0x8a: {  	s1 =	srdreg.scid  }
0x8b: {  	s0 =	sand.u32 $0x1, s1  }
0x8c: {  	s17 =	sshll.u32 s0, $0xA;
	s2 =	sadd.s32 s3, s2  }
0x8d: {  	s2 =	sadd.s32 s2, s17  }
0x8e: {  	[smem:$0x3FC5] =	sst s2  }
0x8f: {  	_ = 	snop  }
0x90: {  	s2 =	sld [smem:$0x3FC8]  }
0x91: {  	s18 =	sld [smem:$0x3FD0];
	(tm) =	ssettm $0x1  }
0x92: {  	s4 =	sld [smem:$0x3FFB];
	_ =	sdelay $0x3  }
0x93: {  	_ =	strace s4  }
0x94: {  	s4 =	sld [smem:$0x3FFC];
	_ =	sdelay $0x3  }
0x95: {  	_ =	strace s4  }
0x96: {  	s4 =	sld [smem:$0x3FFD];
	_ =	sdelay $0x3  }
0x97: {  	_ =	strace s4  }
0x98: {  	_ =	strace $0x8FFFFFFF  }
0x99: {  	s19 =	sld [smem:$0x3FDB];
	_ =	sdelay $0x1  }
0x9a: {  	s5 =	simm.s32 $_scs_section_size  }
0x9b: {  	s6 =	simm.s32 $_size__tile_overlayer_lowered;
	s7 =	simm.s32 $_tile_overlayer_lowered  }
0x9c: {  	s22 =	simm.s32 $0x1BFF;
	s21 =	sshll.u32 s7, $0x1;
	s4 =	sadd.s32 s5, s19  }
0x9d: {  	s8 =	simm.s32 $0x0;
	s20 =	sshll.u32 s6, $0x1;
	s6 =	sadd.s32 s21, s4  }
0x9e: {  	[timem:s8], [sflag:s22] =	dma.local [hbm:s6], s20  }
0x9f: {  	_ =	swait.ge [sflag:s22], s20  }
0xa0: {  	s5 =	ssub.s32 $0x0, s20;
	[sflag:s22] =	ssyncset.done $0x0  }
0xa1: {  	[sflag:s22] =	ssyncadd.s32 s5;
	_ =	sdelay $0x1  }
0xa2: {  	s23 =	simm.s32 $0x1B8B  }
0xa3: {  	_ =	swait.ge [sflag:s23], $0x1  }
0xa4: {  	[sflag:s23] =	ssyncset.done $0x0  }
0xa5: {  	s25 =	simm.s32 $0x1B8E;
	s24 =	sld [smem:$0x3FFE];
	[sflag:s23] =	ssyncadd.s32 $0xFFFFFFFF  }
0xa6: {  	s26 =	simm.s32 $execute0_lowered;
	[smem:$0x3FD2] =	sst s25  }
0xa7: {  	s6 =	sshll.u32 s26, $0x1;
	_ =	strace $0x80000046;
	[dreg:$0x1] =	wrdreg $0xFFFFFFFF  }
0xa8: {  	s28 =	simm.s32 $_size_execute0_lowered;
	s4 =	sadd.s32 s4, s6;
	[dreg:$0x0] =	wrdreg $0x0  }
0xa9: {  	s6 =	sshll.u32 s28, $0x1;
	[dreg:$0x2] =	wrdreg s4  }
0xaa: {  	[dreg:$0x3] =	wrdreg s6  }
0xab: {  	[dreg:$0x4] =	wrdreg $0xC0  }
0xac: {  	_ =	task [dreg:s8], $0x5FFFF  }
0xad: {  	[dreg:$0x1] =	wrdreg $0xFFFFFFFF  }
0xae: {  	[dreg:$0x0] =	wrdreg $0x60  }
0xaf: {  	[dreg:$0x2] =	wrdreg s24  }
0xb0: {  	[dreg:$0x3] =	wrdreg s18  }
0xb1: {  	[dreg:$0x4] =	wrdreg s2  }
0xb2: {  	[dreg:$0x5] =	wrdreg $0x90000  }
0xb3: {  	[dreg:$0x6] =	wrdreg $0x9  }
0xb4: {  	_ =	task.clear_ibuf [dreg:s8], $0x7FFFF;
	_ =	strace $0x90000046  }
0xb5: {  	s29 =	simm.s32 $0x9;
	_ =	strace $0x80000048  }
0xb6: {  	_ =	swait.ge [sflag:s29], $0x1  }
0xb7: {  	[sflag:s29] =	ssyncadd.s32 $0xFFFFFFFF  }
0xb8: {  	_ =	strace $0x90000048  }
0xb9: {  	_ =	sfence  }
0xba: {  	s30 =	sld [smem:$0x0];
	_ =	sdelay $0x2  }
0xbb: {  	s31 =	sshll.u32 s1, $0xD;
	s1 =	sshrl.u32 s1, $0x2  }
0xbc: {  	s3 =	sand.u32 $0x4000, s31;
	s1 =	sadd.s32 s1, s30  }
0xbd: {  	s0 =	sor.u32 s3, s0;
	s1 =	sshll.u32 s1, $0x11  }
0xbe: {  	s0 =	sor.u32 s1, s0  }
0xbf: {  	s0 =	sadd.s32 $0x8F2B, s0  }
0xc0: {  	[sflag:s0] =	ssyncadd.remote.s32 $0x1  }
0xc1: {  	_ =	sfence.sel $0xFFFF  }
0xc2: {  	[dreg:$0x0] =	wrdreg $0xFFFFFFFF;
	(pc) =	sbr.abs _section_cstart, $3  }
0xc3: {  	[dreg:$0x1] =	wrdreg $0xFFFFFFFF  }
0xc4: {  	_ =	task.clear_ibuf [dreg:s8], $0x2FFFF;
	_ =	strace $0x9FFFFFFF  }
0xc5: {  	(tm) =	ssettm $0x7FFFFFFF  }
tec
execute0_lowered:
.L_overlay_start_1:
0x0: {  	(tag) =	ssettag $0x1  }
0x1: {  	s5 =	rddreg [dreg:$0x0]  }
0x2: {  	s1 =	srdreg.scid;
	s11 =	rddreg [dreg:$0x1]  }
0x3: {  	s0 =	stileid.u32;
	s2 =	rddreg [dreg:$0x2]  }
0x4: {  	s3 =	rddreg [dreg:$0x3];
	s4 =	simm.s32 $0x0;
	s16 =	simm.s32 $0x2800  }
0x5: {  	s17 =	simm.s32 $0x80;
	s18 =	simm.s32 $0x1;
	s8 =	smul.u32 $0x2780, s0  }
0x6: {  	s6 =	sand.u32 $0x1, s1;
	s29 =	sshll.u32 s0, $0x1;
	s9 =	smul.u32 $0x50000, s0  }
0x7: {  	[smem:$0x7FF] =	sst s4;
	s15 =	smul.u32 $0x4F000, s0;
	s19 =	sshll.u32 s0, $0x6  }
0x8: {  	s1 =	sor.u32 s6, s29;
	s7 =	smul.u32 $0x27800, s6;
	s6 =	ssub.s32 $0x2, s6  }
0x9: {  	s19 =	sor.u32 $0x1C02, s19;
	s12 =	smul.u32 $0x500, s1;
	s1 =	rddreg [dreg:$0x4]  }
0xa: {  	_ =	strace $0x80000047;
	s30 =	sshrl.u32 s6, $0x1;
	s31 =	sshrl.u32 s9, $0x2  }
0xb: {  	s15 =	sshrl.u32 s15, $0x2;
	s7 =	sadd.s32 s8, s7;
	s14 =	ssub.s32 s6, s30  }
0xc: {  	s20 =	sadd.s32 s15, s3;
	s15 =	simm.s32 $0x2;
	s10 =	sadd.s32 s12, s5  }
0xd: {  	s13 =	sadd.s32 s7, s5;
	s5 =	sadd.s32 s31, s3;
	s11 =	sadd.s32 s11, s12  }
0xe: {  	s20 =	sshrl.u32 s20, $0x3;
	s6 =	sadd.s32 $0x4000, s5;
	s7 =	sadd.s32 $0x8000, s5  }
0xf: {  	s8 =	sadd.s32 $0xC000, s5;
	s9 =	sadd.s32 $0x10000, s5;
	s10 =	sadd.s32 $0x800, s10  }
0x10: {  	v0 =	vimm.f32 $0.0e+00;
	s12 =	sadd.s32 $0xA800, s13;
	s13 =	smax.u32 s14, $0x1;
	s14 =	simm.s32 $0x5000  }
.LBB2_1:
0x11: {  	s21 =	simm.s32 $0x0;
	s22 =	simm.s32 $0x200  }
.LBB2_2:
0x12: {  	p0 =	sne.s32 s22, $0xFE00;
	[tilespmem:s21+$0x5070] =	vst v0  }
0x13: {  	[tilespmem:s21+$0x5000] =	vst v0  }
0x14: {  	[tilespmem:s21+$0x5010] =	vst v0  }
.Ltmp0:
0x15: {  	[tilespmem:s21+$0x5020] =	vst v0;
	(pc) =	sbr.rel @p0 .LBB2_2-.Ltmp0, $4  }
0x16: {  	[tilespmem:s21+$0x5030] =	vst v0  }
0x17: {  	[tilespmem:s21+$0x5040] =	vst v0  }
0x18: {  	[tilespmem:s21+$0x5050] =	vst v0  }
0x19: {  	[tilespmem:s21+$0x5060] =	vst v0;
	s21 =	sshra.s32 s22, $0x2;
	s22 =	sadd.s32 $0x200, s22  }
0x1a: {  	[tilespmem:s21+$0x5070] =	vst v0  }
0x1b: {  	[tilespmem:s21+$0x5000] =	vst v0  }
0x1c: {  	[tilespmem:s21+$0x5010] =	vst v0  }
0x1d: {  	[tilespmem:s21+$0x5020] =	vst v0  }
0x1e: {  	[tilespmem:s21+$0x5030] =	vst v0  }
0x1f: {  	[tilespmem:s21+$0x5040] =	vst v0  }
0x20: {  	[tilespmem:s21+$0x5050] =	vst v0  }
0x21: {  	[tilespmem:s21+$0x5060] =	vst v0  }
0x22: {  	[spmem:s5] =	stream.linear.scatter [tilespmem:s14], [sflag:$0x2], $0x4000, $0x38;
	[tilespmem:$0x1D000] =	vst v63  }
0x23: {  	_ =	swait.ge [sflag:s15], $0x4000  }
0x24: {  	[sflag:s15] =	ssyncset.done $0x0  }
0x25: {  	[sflag:s15] =	ssyncadd.s32 $0xFFFFC000  }
0x26: {  	[spmem:s6] =	stream.linear.scatter [tilespmem:s14], [sflag:$0x2], $0x4000, $0x38;
	[tilespmem:$0x1D000] =	vst v63  }
0x27: {  	_ =	swait.ge [sflag:s15], $0x4000  }
0x28: {  	[sflag:s15] =	ssyncset.done $0x0  }
0x29: {  	[sflag:s15] =	ssyncadd.s32 $0xFFFFC000  }
0x2a: {  	[spmem:s7] =	stream.linear.scatter [tilespmem:s14], [sflag:$0x2], $0x4000, $0x38;
	[tilespmem:$0x1D000] =	vst v63  }
0x2b: {  	_ =	swait.ge [sflag:s15], $0x4000  }
0x2c: {  	[sflag:s15] =	ssyncset.done $0x0  }
0x2d: {  	[sflag:s15] =	ssyncadd.s32 $0xFFFFC000  }
0x2e: {  	[spmem:s8] =	stream.linear.scatter [tilespmem:s14], [sflag:$0x2], $0x4000, $0x38;
	[tilespmem:$0x1D000] =	vst v63  }
0x2f: {  	_ =	swait.ge [sflag:s15], $0x4000  }
0x30: {  	[sflag:s15] =	ssyncset.done $0x0  }
0x31: {  	[sflag:s15] =	ssyncadd.s32 $0xFFFFC000  }
0x32: {  	[spmem:s9] =	stream.linear.scatter [tilespmem:s14], [sflag:$0x2], $0x4000, $0x38;
	[tilespmem:$0x1D000] =	vst v63  }
0x33: {  	_ =	swait.ge [sflag:s15], $0x4000  }
0x34: {  	[sflag:s15] =	ssyncset.done $0x0  }
0x35: {  	s29 =	simm.s32 $0x0;
	[sflag:s15] =	ssyncadd.s32 $0xFFFFC000  }
0x36: {  	[tilespmem:s29], [sflag:$0x2] =	stream.linear.gather [hbm4b:s10+s29], $0x2800, $0x38;
	[tilespmem:$0x1D000] =	vst v63  }
0x37: {  	_ =	swait.ge [sflag:s15], $0x2800  }
0x38: {  	[sflag:s15] =	ssyncset.done $0x0  }
0x39: {  	[sflag:s15] =	ssyncadd.s32 $0xFFFFD800  }
0x3a: {  	[tilespmem:s16], [sflag:$0x2] =	stream.linear.gather [hbm4b:s11+s29], $0x2800, $0x38;
	[tilespmem:$0x1D000] =	vst v63  }
0x3b: {  	_ =	swait.ge [sflag:s15], $0x2800  }
0x3c: {  	[sflag:s15] =	ssyncset.done $0x0  }
0x3d: {  	[sflag:s15] =	ssyncadd.s32 $0xFFFFD800  }
0x3e: {  	s30 =	simm.s32 $0x0;
	[bflag:$0x0] =	sbarrier.arrive $0xFFFF  }
0x3f: {  	[tilespmem:s14], [sflag:$0x1] =	stream.indirect.gather [hbm4b:s2+s17], $0x80, s30, s17, $0xb8;
	[tilespmem:$0x1D000] =	vst v63  }
0x40: {  	_ =	swait.ge [sflag:s18], $0x4000  }
0x41: {  	[sflag:s18] =	ssyncset.done $0x0  }
0x42: {  	s31 =	simm.s32 $0x2800;
	[sflag:s18] =	ssyncadd.s32 $0xFFFFC000  }
0x43: {  	[spmem:s3] =	stream.indirect.scatter.add.f32 [tilespmem:s14], [sflag:$0x2], $0x80, s31, s17, $0xb8;
	[tilespmem:$0x1D000] =	vst v63  }
0x44: {  	_ =	swait.ge [sflag:s15], $0x4000  }
0x45: {  	s21 =	simm.s32 $0x200;
	s22 =	simm.s32 $0x400;
	[sflag:s15] =	ssyncset.done $0x0  }
.LBB2_4:
0x46: {  	s23 =	sshra.s32 s21, $0x2  }
0x47: {  	[sflag:s15] =	ssyncadd.s32 $0xFFFFC000;
	s21 =	smov.u32 s22;
	s24 =	sadd.s32 $0x200, s22  }
0x48: {  	[tilespmem:s14], [sflag:$0x1] =	stream.indirect.gather [hbm4b:s2+s17], $0x80, s23, s17, $0xb8;
	[tilespmem:$0x1D000] =	vst v63  }
0x49: {  	p0 =	sne.s32 s22, $0x9E00;
	_ =	swait.ge [sflag:s18], $0x4000  }
.Ltmp1:
0x4a: {  	[sflag:s18] =	ssyncset.done $0x0;
	(pc) =	sbr.rel @p0 .LBB2_4-.Ltmp1, $4  }
0x4b: {  	s22 =	sadd.s32 $0x2800, s23;
	[sflag:s18] =	ssyncadd.s32 $0xFFFFC000  }
0x4c: {  	[spmem:s3] =	stream.indirect.scatter.add.f32 [tilespmem:s14], [sflag:$0x2], $0x80, s22, s17, $0xb8;
	[tilespmem:$0x1D000] =	vst v63  }
0x4d: {  	_ =	swait.ge [sflag:s15], $0x4000  }
0x4e: {  	s22 =	smov.u32 s24;
	[sflag:s15] =	ssyncset.done $0x0  }
0x4f: {  	s21 =	sshra.s32 s21, $0x2;
	[sflag:s15] =	ssyncadd.s32 $0xFFFFC000  }
0x50: {  	[tilespmem:s14], [sflag:$0x1] =	stream.indirect.gather [hbm4b:s2+s17], $0x80, s21, s17, $0xb8;
	[tilespmem:$0x1D000] =	vst v63  }
0x51: {  	_ =	swait.ge [sflag:s18], $0x4000  }
0x52: {  	[sflag:s18] =	ssyncset.done $0x0  }
0x53: {  	s21 =	sadd.s32 $0x2800, s21;
	[sflag:s18] =	ssyncadd.s32 $0xFFFFC000  }
0x54: {  	[spmem:s3] =	stream.indirect.scatter.add.f32 [tilespmem:s14], [sflag:$0x2], $0x80, s21, s17, $0xb8;
	[tilespmem:$0x1D000] =	vst v63  }
0x55: {  	_ =	swait.ge [sflag:s15], $0x4000  }
0x56: {  	s4 =	sadd.s32 $0x1, s4;
	[sflag:s15] =	ssyncset.done $0x0  }
0x57: {  	p0 =	sne.s32 s4, s13;
	[sflag:s15] =	ssyncadd.s32 $0xFFFFC000  }
.Ltmp2:
0x58: {  	[bflag:$0x0] =	sbarrier.arrive $0xFFFF;
	(pc) =	sbr.rel @p0 .LBB2_1-.Ltmp2, $4  }
0x59: {  	[hbm:s12], [sflag:s19] =	dma.local [spmem:s20], $0x2780  }
0x5a: {  	_ =	swait.ge [sflag:s15], $0x2780  }
0x5b: {  	[sflag:s15] =	ssyncset.done $0x0  }
0x5c: {  	[sflag:s15] =	ssyncadd.s32 $0xFFFFD880  }
0x5d: {  	_ =	sfence.sel $0x180000  }
0x5e: {  	[bflag:$0x0] =	sbarrier.arrive $0xFFFF  }
0x5f: {  	p0 =	sne.s32 s0, $0x0;
	_ =	strace $0x90000047  }
0x60: {  	s0 =	sadd.s32 @!p0 $0x100000, s1;
	[bflag:$0x2] =	sbarrier.arrive $0xFFFF  }
0x61: {  	[sflag:s0] =	ssyncadd.tile.s32 @!p0 $0x1;
	_ =	shalt  }
.Lfunc_end2:
_tile_overlayer_lowered:
.L_overlay_start_2:
0x62: {  	(tag) =	ssettag $0x2  }
0x63: {  	s0 =	rddreg [dreg:$0x0];
	s2 =	stileid.u32  }
0x64: {  	s1 =	rddreg [dreg:$0x1];
	p0 =	sne.s32 s2, $0x0  }
0x65: {  	s3 =	rddreg [dreg:$0x2];
	[bflag:$0x3] =	sbarrier.arrive $0xFFFF;
	s2 =	simm.s32 @!p0 $0x1C02  }
0x66: {  	[timem:s3], [sflag:s2] =	dma.local @!p0 [hbm:s0], s1  }
0x67: {  	s0 =	simm.s32 @!p0 $0x2  }
0x68: {  	_ =	swait.ge @!p0 [sflag:s0], s1  }
0x69: {  	s1 =	ssub.s32 @!p0 $0x0, s1;
	[sflag:s0] =	ssyncset.done @!p0 $0x0  }
0x6a: {  	[sflag:s0] =	ssyncadd.s32 @!p0 s1  }
0x6b: {  	[bflag:$0x3] =	sbarrier.arrive $0xFFFF  }
0x6c: {  	_ =	shalt  }

</sc_bundles>
